<compile_context>
chip_gen: v7x
topology: tpu7x:2x2x1
jax: 0.10.2.dev20260603
libtpu: 0.0.44.dev20260713+nightly
codegen_flags: <defaults>
</compile_context>

<pallas_src>
import functools

import jax
import jax.numpy as jnp
from jax.experimental import pallas as pl
from jax.experimental.pallas import tpu as pltpu
from jax.experimental.pallas import tpu_sc as plsc

N = 10000
E = 320000
D = 128
H = 128
C = 2
G = 64

NUM_SC = 2
NUM_SUBCORES = 16
ROW_STRIPE = 624
LAST_STRIPE = N - (NUM_SUBCORES - 1) * ROW_STRIPE
EDGES_PER_CORE = E // NUM_SC
EDGES_PER_SUB = EDGES_PER_CORE // NUM_SUBCORES

MSG_B = 128
MSG_FULL = EDGES_PER_CORE // MSG_B // NUM_SUBCORES
MSG_LEFT = EDGES_PER_CORE // MSG_B - MSG_FULL * NUM_SUBCORES
DEG_B = 1280
DEG_CHUNKS = EDGES_PER_CORE // DEG_B
DEG_FULL = DEG_CHUNKS // NUM_SUBCORES
DEG_LEFT = DEG_CHUNKS - DEG_FULL * NUM_SUBCORES

@functools.cache
def _vec_mesh():
  return plsc.VectorSubcoreMesh(
      core_axis_name="c", subcore_axis_name="s",
      num_cores=NUM_SC, num_subcores=NUM_SUBCORES)


def _zero_f32_buf(ref, n):
  @pl.loop(0, n, step=16)
  def _(i):
    ref[pl.ds(i, 16)] = jnp.zeros((16,), jnp.float32)


def _fill_rows_zero(rows_ref, nrows):
  @pl.loop(0, nrows)
  def _(r):
    for c0 in range(0, 128, 16):
      rows_ref[r, pl.ds(c0, 16)] = jnp.zeros((16,), jnp.float32)


@jax.jit
def _sc_degree(edge_index):

  @pl.kernel(
      out_type=jax.ShapeDtypeStruct((NUM_SC * N,), jnp.float32),
      mesh=_vec_mesh(),
      scratch_types=[
          pltpu.VMEM((2, DEG_B), jnp.int32),
          pltpu.VMEM((DEG_B,), jnp.int32),
          pltpu.VMEM((DEG_B,), jnp.float32),
          pltpu.VMEM_SHARED((N,), jnp.float32),
      ],
  )
  def deg_kernel(e_hbm, o_hbm, idx_v, didx_v, ones_v, acc_sh):
    c = jax.lax.axis_index("c")
    s = jax.lax.axis_index("s")

    _zero_f32_buf(ones_v, DEG_B)

    @pl.when(s == 0)
    def _():
      nfull = (N // DEG_B) * DEG_B

      @pl.loop(0, nfull, step=DEG_B)
      def _(r0):
        pltpu.sync_copy(ones_v, acc_sh.at[pl.ds(r0, DEG_B)])

      pltpu.sync_copy(ones_v.at[pl.ds(0, N - nfull)],
                      acc_sh.at[pl.ds(nfull, N - nfull)])

    plsc.subcore_barrier()

    @pl.loop(0, DEG_B, step=16)
    def _(i):
      ones_v[pl.ds(i, 16)] = jnp.ones((16,), jnp.float32)

    def deg_chunk(j):
      off = c * EDGES_PER_CORE + j * DEG_B
      pltpu.sync_copy(e_hbm.at[pl.ds(0, 2), pl.ds(off, DEG_B)], idx_v)

      @pl.loop(0, DEG_B, step=16)
      def _(k):
        didx_v[pl.ds(k, 16)] = idx_v[1, pl.ds(k, 16)]

      pltpu.sync_copy(ones_v, acc_sh.at[didx_v], add=True)

    @pl.loop(0, DEG_FULL)
    def _(t):
      deg_chunk(s + NUM_SUBCORES * t)

    @pl.when(s < DEG_LEFT)
    def _():
      deg_chunk(s + NUM_SUBCORES * DEG_FULL)

    plsc.subcore_barrier()

    r0 = s * ROW_STRIPE

    @pl.when(s < NUM_SUBCORES - 1)
    def _():
      pltpu.sync_copy(acc_sh.at[pl.ds(r0, ROW_STRIPE)],
                      ones_v.at[pl.ds(0, ROW_STRIPE)])
      pltpu.sync_copy(ones_v.at[pl.ds(0, ROW_STRIPE)],
                      o_hbm.at[pl.ds(c * N + r0, ROW_STRIPE)])

    @pl.when(s == NUM_SUBCORES - 1)
    def _():
      pltpu.sync_copy(acc_sh.at[pl.ds(r0, LAST_STRIPE)],
                      ones_v.at[pl.ds(0, LAST_STRIPE)])
      pltpu.sync_copy(ones_v.at[pl.ds(0, LAST_STRIPE)],
                      o_hbm.at[pl.ds(c * N + r0, LAST_STRIPE)])

  return deg_kernel(edge_index)


@jax.jit
def _sc_scatter(y, edge_index):

  @pl.kernel(
      out_type=jax.ShapeDtypeStruct((NUM_SC, N, H), jnp.float32),
      mesh=_vec_mesh(),
      scratch_types=(
          [pltpu.VMEM((2, MSG_B), jnp.int32)] * 3
          + [pltpu.VMEM((MSG_B, H), jnp.float32)] * 3
          + [pltpu.SemaphoreType.DMA] * 9
          + [pltpu.VMEM_SHARED((N, H), jnp.float32)]
      ),
  )
  def scatter_kernel(y_hbm, e_hbm, o_hbm,
                     eidx0, eidx1, eidx2,
                     rows0, rows1, rows2,
                     si0, si1, si2, sg0, sg1, sg2, ss0, ss1, ss2, acc_sh):
    c = jax.lax.axis_index("c")
    s = jax.lax.axis_index("s")
    eidx = (eidx0, eidx1, eidx2)
    rows = (rows0, rows1, rows2)
    sem_i = (si0, si1, si2)
    sem_g = (sg0, sg1, sg2)
    sem_s = (ss0, ss1, ss2)
    rows_v = rows0

    _fill_rows_zero(rows_v, MSG_B)
    r0 = s * ROW_STRIPE

    def zero_stripe(nrows):
      full = (nrows // MSG_B) * MSG_B

      @pl.loop(0, full, step=MSG_B)
      def _(i):
        pltpu.sync_copy(rows_v, acc_sh.at[pl.ds(r0 + i, MSG_B)])

      tail = nrows - full
      if tail:
        pltpu.sync_copy(rows_v.at[pl.ds(0, tail)],
                        acc_sh.at[pl.ds(r0 + full, tail)])

    @pl.when(s < NUM_SUBCORES - 1)
    def _():
      zero_stripe(ROW_STRIPE)

    @pl.when(s == NUM_SUBCORES - 1)
    def _():
      zero_stripe(LAST_STRIPE)

    plsc.subcore_barrier()

    def batch_off(i):
      return c * EDGES_PER_CORE + (s + NUM_SUBCORES * i) * MSG_B

    def issue_idx(i, k):
      pltpu.async_copy(e_hbm.at[pl.ds(0, 2), pl.ds(batch_off(i), MSG_B)],
                       eidx[k], sem_i[k])

    def issue_gather(i, k):
      del i
      pltpu.make_async_copy(e_hbm.at[pl.ds(0, 2), pl.ds(0, MSG_B)], eidx[k],
                            sem_i[k]).wait()
      pltpu.async_copy(y_hbm.at[eidx[k].at[0]], rows[k], sem_g[k])

    def issue_scatter(i, k):
      del i
      pltpu.make_async_copy(y_hbm.at[eidx[k].at[0]], rows[k],
                            sem_g[k]).wait()
      pltpu.async_copy(rows[k], acc_sh.at[eidx[k].at[1]], sem_s[k],
                       add=True)

    def wait_scatter(k):
      pltpu.make_async_copy(rows[k], acc_sh.at[eidx[k].at[1]],
                            sem_s[k]).wait()

    issue_idx(0, 0)
    issue_idx(1, 1)
    issue_gather(0, 0)
    issue_idx(2, 2)
    issue_gather(1, 1)
    issue_scatter(0, 0)

    @pl.loop(1, MSG_FULL // 3)
    def _(t):
      for u in range(3):
        b = 3 * t + u
        wait_scatter(u)
        issue_idx(b, u)
        issue_gather(b - 1, (u + 2) % 3)
        issue_scatter(b - 2, (u + 1) % 3)

    issue_gather(MSG_FULL - 1, (MSG_FULL - 1) % 3)
    issue_scatter(MSG_FULL - 2, (MSG_FULL - 2) % 3)
    issue_scatter(MSG_FULL - 1, (MSG_FULL - 1) % 3)
    wait_scatter(0)
    wait_scatter(1)
    wait_scatter(2)

    @pl.when(s < MSG_LEFT)
    def _():
      pltpu.sync_copy(
          e_hbm.at[pl.ds(0, 2), pl.ds(batch_off(MSG_FULL), MSG_B)], eidx0)
      pltpu.sync_copy(y_hbm.at[eidx0.at[0]], rows0)
      pltpu.sync_copy(rows0, acc_sh.at[eidx0.at[1]], add=True)

    plsc.subcore_barrier()

    @pl.when(s < NUM_SUBCORES - 1)
    def _():
      pltpu.sync_copy(acc_sh.at[pl.ds(r0, ROW_STRIPE)],
                      o_hbm.at[c, pl.ds(r0, ROW_STRIPE)])

    @pl.when(s == NUM_SUBCORES - 1)
    def _():
      pltpu.sync_copy(acc_sh.at[pl.ds(r0, LAST_STRIPE)],
                      o_hbm.at[c, pl.ds(r0, LAST_STRIPE)])

  return scatter_kernel(y, edge_index)


_BLK = 2000
_GRID = N // _BLK


def _dot(a, b):
  return jax.lax.dot_general(a, b, (((1,), (0,)), ((), ())),
                             precision=jax.lax.Precision.HIGHEST,
                             preferred_element_type=jnp.float32)


def _deg_specs():
  return [pl.BlockSpec((_BLK, 1), lambda i: (i, 0))]


def _inv_col(deg_ref):
  return jax.lax.rsqrt(deg_ref[...] + 1.0)


def _tc_pre_body(x_ref, deg_ref, wemb_ref, bemb_ref, w1_ref, y0_ref):
  inv = _inv_col(deg_ref)
  wc = _dot(wemb_ref[...], w1_ref[...])
  bc = _dot(bemb_ref[...], w1_ref[...])
  y0_ref[...] = (_dot(x_ref[...], wc) + bc) * inv


@jax.jit
def _tc_pre(x, deg_col, W_emb, b_emb, W1):
  return pl.pallas_call(
      _tc_pre_body,
      grid=(_GRID,),
      in_specs=[
          pl.BlockSpec((_BLK, D), lambda i: (i, 0)),
          *_deg_specs(),
          pl.BlockSpec((D, H), lambda i: (0, 0)),
          pl.BlockSpec((1, H), lambda i: (0, 0)),
          pl.BlockSpec((H, H), lambda i: (0, 0)),
      ],
      out_specs=pl.BlockSpec((_BLK, H), lambda i: (i, 0)),
      out_shape=jax.ShapeDtypeStruct((N, H), jnp.float32),
  )(x, deg_col, W_emb, b_emb.reshape(1, H), W1)


def _tc_mid_body(t_ref, y0_ref, deg_ref, b1_ref, w2_ref, y1_ref):
  inv = _inv_col(deg_ref)
  agg = (t_ref[0] + t_ref[1] + y0_ref[...]) * inv + b1_ref[...]
  h1 = jnp.maximum(agg, 0.0)
  y1_ref[...] = _dot(h1, w2_ref[...]) * inv


@jax.jit
def _tc_mid(t, y0, deg_col, b1, W2):
  return pl.pallas_call(
      _tc_mid_body,
      grid=(_GRID,),
      in_specs=[
          pl.BlockSpec((NUM_SC, _BLK, H), lambda i: (0, i, 0)),
          pl.BlockSpec((_BLK, H), lambda i: (i, 0)),
          *_deg_specs(),
          pl.BlockSpec((1, H), lambda i: (0, 0)),
          pl.BlockSpec((H, H), lambda i: (0, 0)),
      ],
      out_specs=pl.BlockSpec((_BLK, H), lambda i: (i, 0)),
      out_shape=jax.ShapeDtypeStruct((N, H), jnp.float32),
  )(t, y0, deg_col, b1.reshape(1, H), W2)


def _tc_post_body(t_ref, y1_ref, deg_ref, b2_ref, batch_ref,
                  wl1_ref, bl1_ref, wl2_ref, bl2_ref, out_ref, pool_ref,
                  cnt_ref):
  i = pl.program_id(0)

  @pl.when(i == 0)
  def _():
    pool_ref[...] = jnp.zeros_like(pool_ref)
    cnt_ref[...] = jnp.zeros_like(cnt_ref)

  inv = _inv_col(deg_ref)
  h2 = (t_ref[0] + t_ref[1] + y1_ref[...]) * inv + b2_ref[...]
  gids = jax.lax.broadcasted_iota(jnp.int32, (_BLK, G), 1)
  m = (batch_ref[...] == gids).astype(jnp.float32)
  mt_dims = (((0,), (0,)), ((), ()))
  pool_ref[...] += jax.lax.dot_general(
      m, h2, mt_dims, precision=jax.lax.Precision.HIGHEST,
      preferred_element_type=jnp.float32)
  cnt_ref[...] += jax.lax.dot_general(
      m, jnp.ones((_BLK, 1), jnp.float32), mt_dims,
      precision=jax.lax.Precision.HIGHEST,
      preferred_element_type=jnp.float32)

  @pl.when(i == _GRID - 1)
  def _():
    pooled = pool_ref[...] / jnp.maximum(cnt_ref[...], 1.0)
    h = jnp.maximum(_dot(pooled, wl1_ref[...]) + bl1_ref[...], 0.0)
    out_ref[...] = _dot(h, wl2_ref[...]) + bl2_ref[...]


@jax.jit
def _tc_post(t, y1, deg_col, b2, batch2d, Wl1, bl1, Wl2, bl2):
  return pl.pallas_call(
      _tc_post_body,
      grid=(_GRID,),
      in_specs=[
          pl.BlockSpec((NUM_SC, _BLK, H), lambda i: (0, i, 0)),
          pl.BlockSpec((_BLK, H), lambda i: (i, 0)),
          *_deg_specs(),
          pl.BlockSpec((1, H), lambda i: (0, 0)),
          pl.BlockSpec((_BLK, 1), lambda i: (i, 0)),
          pl.BlockSpec((H, H), lambda i: (0, 0)),
          pl.BlockSpec((1, H), lambda i: (0, 0)),
          pl.BlockSpec((H, C), lambda i: (0, 0)),
          pl.BlockSpec((1, C), lambda i: (0, 0)),
      ],
      out_specs=pl.BlockSpec((G, C), lambda i: (0, 0)),
      out_shape=jax.ShapeDtypeStruct((G, C), jnp.float32),
      scratch_shapes=[
          pltpu.VMEM((G, H), jnp.float32),
          pltpu.VMEM((G, 1), jnp.float32),
      ],
      compiler_params=pltpu.CompilerParams(
          dimension_semantics=("arbitrary",)),
  )(t, y1, deg_col, b2.reshape(1, H), batch2d, Wl1, bl1.reshape(1, H),
    Wl2, bl2.reshape(1, C))


def kernel(x, edge_index, batch, W_emb, b_emb, W1, b1, W2, b2, Wl1, bl1,
           Wl2, bl2):
  degp = _sc_degree(edge_index)
  deg_col = (degp[:N] + degp[N:]).reshape(N, 1)
  batch2d = batch.reshape(N, 1)

  y0 = _tc_pre(x, deg_col, W_emb, b_emb, W1)
  t1 = _sc_scatter(y0, edge_index)
  y1 = _tc_mid(t1, y0, deg_col, b1, W2)
  t2 = _sc_scatter(y1, edge_index)
  out = _tc_post(t2, y1, deg_col, b2, batch2d, Wl1, bl1, Wl2, bl2)
  return out

# --- scband reference (transcript-rebuilt; emitter-appended) ---
"""Pipeline reference for scband-gnnsentiment-classifier-46634754900429 (READ-ONLY COPY).

The authoritative reference and input builder live on the scoring server;
editing this copy changes nothing except your own understanding.
"""

import jax, jax.numpy as jnp
import numpy as np

N = 10000
E = 320000
D = 128
H = 128
C = 2
G = 64


def setup_inputs(seed: int = 0) -> dict:
    key = jax.random.key(seed)
    ks = jax.random.split(key, 16)
    x = jax.random.normal(ks[0], (N, D), dtype=jnp.float32)
    edge_index = jax.random.randint(ks[1], (2, E), 0, N, dtype=jnp.int32)
    batch = jnp.sort(jax.random.randint(ks[2], (N,), 0, G, dtype=jnp.int32))
    s_in = 1.0 / np.sqrt(D)
    s_h = 1.0 / np.sqrt(H)
    W_emb = jax.random.uniform(ks[3], (D, H), dtype=jnp.float32, minval=-s_in, maxval=s_in)
    b_emb = jax.random.uniform(ks[4], (H,), dtype=jnp.float32, minval=-s_in, maxval=s_in)
    W1 = jax.random.uniform(ks[5], (H, H), dtype=jnp.float32, minval=-s_h, maxval=s_h)
    b1 = jax.random.uniform(ks[6], (H,), dtype=jnp.float32, minval=-s_h, maxval=s_h)
    W2 = jax.random.uniform(ks[7], (H, H), dtype=jnp.float32, minval=-s_h, maxval=s_h)
    b2 = jax.random.uniform(ks[8], (H,), dtype=jnp.float32, minval=-s_h, maxval=s_h)
    Wl1 = jax.random.uniform(ks[9], (H, H), dtype=jnp.float32, minval=-s_h, maxval=s_h)
    bl1 = jax.random.uniform(ks[10], (H,), dtype=jnp.float32, minval=-s_h, maxval=s_h)
    Wl2 = jax.random.uniform(ks[11], (H, C), dtype=jnp.float32, minval=-s_h, maxval=s_h)
    bl2 = jax.random.uniform(ks[12], (C,), dtype=jnp.float32, minval=-s_h, maxval=s_h)
    return {"x": x, "edge_index": edge_index, "batch": batch,
            "W_emb": W_emb, "b_emb": b_emb, "W1": W1, "b1": b1,
            "W2": W2, "b2": b2, "Wl1": Wl1, "bl1": bl1,
            "Wl2": Wl2, "bl2": bl2}


def _gcn_conv(x, edge_index, W, b):
    # PyG GCNConv: linear transform, add self-loops, symmetric normalization, scatter-add
    xw = x @ W
    loop = jnp.arange(N, dtype=edge_index.dtype)
    src = jnp.concatenate([edge_index[0], loop])
    dst = jnp.concatenate([edge_index[1], loop])
    deg = jax.ops.segment_sum(jnp.ones_like(dst, dtype=xw.dtype), dst, num_segments=N)
    inv_sqrt = jnp.where(deg > 0, jax.lax.rsqrt(jnp.maximum(deg, 1e-12)), 0.0)
    norm = inv_sqrt[src] * inv_sqrt[dst]
    msgs = xw[src] * norm[:, None]
    agg = jax.ops.segment_sum(msgs, dst, num_segments=N)
    return agg + b


def _global_mean_pool(x, batch):
    sums = jax.ops.segment_sum(x, batch, num_segments=G)
    counts = jax.ops.segment_sum(jnp.ones((x.shape[0],), dtype=x.dtype), batch, num_segments=G)
    return sums / jnp.maximum(counts, 1.0)[:, None]


def reference(x, edge_index, batch, W_emb, b_emb, W1, b1, W2, b2, Wl1, bl1, Wl2, bl2):
    h = x @ W_emb + b_emb
    h = jax.nn.relu(_gcn_conv(h, edge_index, W1, b1))
    # dropout is identity in eval mode
    h = _gcn_conv(h, edge_index, W2, b2)
    pooled = _global_mean_pool(h, batch)
    h = jax.nn.relu(pooled @ Wl1 + bl1)
    out = h @ Wl2 + bl2
    return out

if __name__ == "__main__":
    import jax
    _d = setup_inputs()
    print(jax.jit(kernel)(*tuple(_d.values())))

</pallas_src>

<mosaic_0001>
#map = affine_map<(d0, d1) -> (0, 0)>
#map1 = affine_map<(d0, d1) -> (0)>
module attributes {stable_mosaic.version = 14 : i64} {
  func.func @deg_kernel(%arg0: i32, %arg1: i32, %arg2: memref<2x320000xi32, #tpu.memory_space<hbm>>, %arg3: memref<20000xf32, #tpu.memory_space<hbm>>, %arg4: memref<2x1280xi32, #tpu.memory_space<vmem>>, %arg5: memref<1280xi32, #tpu.memory_space<vmem>>, %arg6: memref<1280xf32, #tpu.memory_space<vmem>>, %arg7: memref<10000xf32, #tpu.memory_space<vmem_shared>>) attributes {dimension_semantics = [#tpu.dimension_semantics<core_parallel>, #tpu.dimension_semantics<subcore_parallel>], iteration_bounds = array<i64: 2, 16>, scalar_prefetch = 0 : i64, scratch_operands = 4 : i64, tpu.core_type = #tpu.core_type<sc_vector_subcore>, window_params = [{transform_indices = #map}, {transform_indices = #map1}]} {
    %scan3A = arith.constant 0 : i32
    %scan3A_0 = arith.constant 80 : i32
    %scan3A_1 = arith.addi %scan3A, %scan3A_0 : i32
    %scan3A_2 = arith.constant 1 : i32
    scf.for %scan3A_32 = %scan3A to %scan3A_1 step %scan3A_2  : i32 {
      %mul3A_33 = arith.constant 16 : i32
      %mul3A_34 = arith.muli %scan3A_32, %mul3A_33 : i32
      %add3A = arith.constant 0 : i32
      %add3A_35 = arith.addi %add3A, %mul3A_34 : i32
      %broadcast_in_dim3A = arith.constant 0.000000e+00 : f32
      %broadcast_in_dim3A_36 = vector.broadcast %broadcast_in_dim3A : f32 to vector<16xf32>
      %swap3A = arith.index_cast %add3A_35 : i32 to index
      %swap3A_37 = tpu.vector_load %arg6[%swap3A] {strides = array<i32>} : memref<1280xf32, #tpu.memory_space<vmem>>, vector<16xf32>,
      %swap3A_38 = vector.shape_cast %swap3A_37 : vector<16xf32> to vector<16xf32>
      %swap3A_39 = vector.shape_cast %broadcast_in_dim3A_36 : vector<16xf32> to vector<16xf32>
      tpu.vector_store %arg6[%swap3A], %swap3A_39 {strides = array<i32>} : memref<1280xf32, #tpu.memory_space<vmem>>, vector<16xf32>,
    }
    %scan3A_3 = arith.constant 80 : i32
    %eq3A = arith.constant 0 : i32
    %eq3A_4 = arith.cmpi eq, %arg1, %eq3A : i32
    %convert_element_type3A = arith.extui %eq3A_4 : i1 to i32
    %cond3A = arith.constant 0 : i32
    %cond3A_5 = arith.cmpi ne, %convert_element_type3A, %cond3A : i32
    scf.if %cond3A_5 {
      %scan3A_32 = arith.constant 0 : i32
      %scan3A_33 = arith.constant 7 : i32
      %scan3A_34 = arith.addi %scan3A_32, %scan3A_33 : i32
      %scan3A_35 = arith.constant 1 : i32
      scf.for %scan3A_37 = %scan3A_32 to %scan3A_34 step %scan3A_35  : i32 {
        %mul3A_38 = arith.constant 1280 : i32
        %mul3A_39 = arith.muli %scan3A_37, %mul3A_38 : i32
        %add3A = arith.constant 0 : i32
        %add3A_40 = arith.addi %add3A, %mul3A_39 : i32
        "tpu.region"() ({
          %run_scoped3A = tpu.sem_alloc : memref<!tpu.dma_semaphore, #tpu.memory_space<semaphore_mem>>
          %dma_start3A = tpu.memref_slice %arg7[%add3A_40] : memref<10000xf32, #tpu.memory_space<vmem_shared>> -> memref<1280xf32, #tpu.memory_space<vmem_shared>>
          %dma_start3A_41 = tpu.memref_slice %arg7[%add3A_40] : memref<10000xf32, #tpu.memory_space<vmem_shared>> -> memref<1280xf32, #tpu.memory_space<vmem_shared>>
          tpu.enqueue_dma source(%arg6 : memref<1280xf32, #tpu.memory_space<vmem>>) target(%dma_start3A_41 : memref<1280xf32, #tpu.memory_space<vmem_shared>>) target_semaphore(%run_scoped3A : memref<!tpu.dma_semaphore, #tpu.memory_space<semaphore_mem>>)
          %dma_wait3A = tpu.memref_slice %arg7[%add3A_40] : memref<10000xf32, #tpu.memory_space<vmem_shared>> -> memref<1280xf32, #tpu.memory_space<vmem_shared>>
          %dma_wait3A_42 = tpu.memref_slice %arg7[%add3A_40] : memref<10000xf32, #tpu.memory_space<vmem_shared>> -> memref<1280xf32, #tpu.memory_space<vmem_shared>>
          tpu.wait_dma2 semaphore(%run_scoped3A : memref<!tpu.dma_semaphore, #tpu.memory_space<semaphore_mem>>) src(%arg6 : memref<1280xf32, #tpu.memory_space<vmem>>) dst(%dma_wait3A_42 : memref<1280xf32, #tpu.memory_space<vmem_shared>>)
          tpu.yield
        }) : () -> ()
      }
      %scan3A_36 = arith.constant 7 : i32
      "tpu.region"() ({
        %run_scoped3A = tpu.sem_alloc : memref<!tpu.dma_semaphore, #tpu.memory_space<semaphore_mem>>
        %dma_start3A = arith.constant 0 : i32
        %dma_start3A_37 = tpu.memref_slice %arg6[%dma_start3A] : memref<1280xf32, #tpu.memory_space<vmem>> -> memref<1040xf32, #tpu.memory_space<vmem>>
        %dma_start3A_38 = arith.constant 8960 : i32
        %dma_start3A_39 = tpu.memref_slice %arg7[%dma_start3A_38] : memref<10000xf32, #tpu.memory_space<vmem_shared>> -> memref<1040xf32, #tpu.memory_space<vmem_shared>>
        %dma_start3A_40 = arith.constant 8960 : i32
        %dma_start3A_41 = tpu.memref_slice %arg7[%dma_start3A_40] : memref<10000xf32, #tpu.memory_space<vmem_shared>> -> memref<1040xf32, #tpu.memory_space<vmem_shared>>
        %dma_start3A_42 = arith.constant 0 : i32
        %dma_start3A_43 = tpu.memref_slice %arg6[%dma_start3A_42] : memref<1280xf32, #tpu.memory_space<vmem>> -> memref<1040xf32, #tpu.memory_space<vmem>>
        tpu.enqueue_dma source(%dma_start3A_43 : memref<1040xf32, #tpu.memory_space<vmem>>) target(%dma_start3A_41 : memref<1040xf32, #tpu.memory_space<vmem_shared>>) target_semaphore(%run_scoped3A : memref<!tpu.dma_semaphore, #tpu.memory_space<semaphore_mem>>)
        %dma_wait3A = arith.constant 0 : i32
        %dma_wait3A_44 = tpu.memref_slice %arg6[%dma_wait3A] : memref<1280xf32, #tpu.memory_space<vmem>> -> memref<1040xf32, #tpu.memory_space<vmem>>
        %dma_wait3A_45 = arith.constant 8960 : i32
        %dma_wait3A_46 = tpu.memref_slice %arg7[%dma_wait3A_45] : memref<10000xf32, #tpu.memory_space<vmem_shared>> -> memref<1040xf32, #tpu.memory_space<vmem_shared>>
        %dma_wait3A_47 = arith.constant 8960 : i32
        %dma_wait3A_48 = tpu.memref_slice %arg7[%dma_wait3A_47] : memref<10000xf32, #tpu.memory_space<vmem_shared>> -> memref<1040xf32, #tpu.memory_space<vmem_shared>>
        %dma_wait3A_49 = arith.constant 0 : i32
        %dma_wait3A_50 = tpu.memref_slice %arg6[%dma_wait3A_49] : memref<1280xf32, #tpu.memory_space<vmem>> -> memref<1040xf32, #tpu.memory_space<vmem>>
        tpu.wait_dma2 semaphore(%run_scoped3A : memref<!tpu.dma_semaphore, #tpu.memory_space<semaphore_mem>>) src(%dma_wait3A_50 : memref<1040xf32, #tpu.memory_space<vmem>>) dst(%dma_wait3A_48 : memref<1040xf32, #tpu.memory_space<vmem_shared>>)
        tpu.yield
      }) : () -> ()
    } else {
    }
    %barrier3A = arith.constant 0 : index
    tpu.barrier barrier_id(%barrier3A)
    %scan3A_6 = arith.constant 0 : i32
    %scan3A_7 = arith.constant 80 : i32
    %scan3A_8 = arith.addi %scan3A_6, %scan3A_7 : i32
    %scan3A_9 = arith.constant 1 : i32
    scf.for %scan3A_32 = %scan3A_6 to %scan3A_8 step %scan3A_9  : i32 {
      %mul3A_33 = arith.constant 16 : i32
      %mul3A_34 = arith.muli %scan3A_32, %mul3A_33 : i32
      %add3A = arith.constant 0 : i32
      %add3A_35 = arith.addi %add3A, %mul3A_34 : i32
      %broadcast_in_dim3A = arith.constant 1.000000e+00 : f32
      %broadcast_in_dim3A_36 = vector.broadcast %broadcast_in_dim3A : f32 to vector<16xf32>
      %swap3A = arith.index_cast %add3A_35 : i32 to index
      %swap3A_37 = tpu.vector_load %arg6[%swap3A] {strides = array<i32>} : memref<1280xf32, #tpu.memory_space<vmem>>, vector<16xf32>,
      %swap3A_38 = vector.shape_cast %swap3A_37 : vector<16xf32> to vector<16xf32>
      %swap3A_39 = vector.shape_cast %broadcast_in_dim3A_36 : vector<16xf32> to vector<16xf32>
      tpu.vector_store %arg6[%swap3A], %swap3A_39 {strides = array<i32>} : memref<1280xf32, #tpu.memory_space<vmem>>, vector<16xf32>,
    }
    %scan3A_10 = arith.constant 80 : i32
    %scan3A_11 = arith.constant 0 : i32
    %scan3A_12 = arith.constant 7 : i32
    %scan3A_13 = arith.addi %scan3A_11, %scan3A_12 : i32
    %scan3A_14 = arith.constant 1 : i32
    scf.for %scan3A_32 = %scan3A_11 to %scan3A_13 step %scan3A_14  : i32 {
      %mul3A_33 = arith.constant 1 : i32
      %mul3A_34 = arith.muli %scan3A_32, %mul3A_33 : i32
      %add3A = arith.constant 0 : i32
      %add3A_35 = arith.addi %add3A, %mul3A_34 : i32
      %mul3A_36 = arith.constant 16 : i32
      %mul3A_37 = arith.muli %mul3A_36, %add3A_35 : i32
      %add3A_38 = arith.addi %arg1, %mul3A_37 : i32
      %mul3A_39 = arith.constant 160000 : i32
      %mul3A_40 = arith.muli %arg0, %mul3A_39 : i32
      %mul3A_41 = arith.constant 1280 : i32
      %mul3A_42 = arith.muli %add3A_38, %mul3A_41 : i32
      %add3A_43 = arith.addi %mul3A_40, %mul3A_42 : i32
      "tpu.region"() ({
        %run_scoped3A = tpu.sem_alloc : memref<!tpu.dma_semaphore, #tpu.memory_space<semaphore_mem>>
        %dma_start3A = arith.constant 0 : i32
        %dma_start3A_49 = tpu.memref_slice %arg2[%dma_start3A, %add3A_43] : memref<2x320000xi32, #tpu.memory_space<hbm>> -> memref<2x1280xi32, #tpu.memory_space<hbm>>
        %dma_start3A_50 = arith.constant 0 : i32
        %dma_start3A_51 = tpu.memref_slice %arg2[%dma_start3A_50, %add3A_43] : memref<2x320000xi32, #tpu.memory_space<hbm>> -> memref<2x1280xi32, #tpu.memory_space<hbm>>
        tpu.enqueue_dma source(%dma_start3A_51 : memref<2x1280xi32, #tpu.memory_space<hbm>>) target(%arg4 : memref<2x1280xi32, #tpu.memory_space<vmem>>) target_semaphore(%run_scoped3A : memref<!tpu.dma_semaphore, #tpu.memory_space<semaphore_mem>>)
        %dma_wait3A = arith.constant 0 : i32
        %dma_wait3A_52 = tpu.memref_slice %arg2[%dma_wait3A, %add3A_43] : memref<2x320000xi32, #tpu.memory_space<hbm>> -> memref<2x1280xi32, #tpu.memory_space<hbm>>
        %dma_wait3A_53 = arith.constant 0 : i32
        %dma_wait3A_54 = tpu.memref_slice %arg2[%dma_wait3A_53, %add3A_43] : memref<2x320000xi32, #tpu.memory_space<hbm>> -> memref<2x1280xi32, #tpu.memory_space<hbm>>
        tpu.wait_dma2 semaphore(%run_scoped3A : memref<!tpu.dma_semaphore, #tpu.memory_space<semaphore_mem>>) src(%dma_wait3A_54 : memref<2x1280xi32, #tpu.memory_space<hbm>>) dst(%arg4 : memref<2x1280xi32, #tpu.memory_space<vmem>>)
        tpu.yield
      }) : () -> ()
      %scan3A_44 = arith.constant 0 : i32
      %scan3A_45 = arith.constant 80 : i32
      %scan3A_46 = arith.addi %scan3A_44, %scan3A_45 : i32
      %scan3A_47 = arith.constant 1 : i32
      scf.for %scan3A_49 = %scan3A_44 to %scan3A_46 step %scan3A_47  : i32 {
        %mul3A_50 = arith.constant 16 : i32
        %mul3A_51 = arith.muli %scan3A_49, %mul3A_50 : i32
        %add3A_52 = arith.constant 0 : i32
        %add3A_53 = arith.addi %add3A_52, %mul3A_51 : i32
        %get3A = arith.constant 1 : i32
        %get3A_54 = arith.index_cast %get3A : i32 to index
        %get3A_55 = arith.index_cast %add3A_53 : i32 to index
        %get3A_56 = tpu.vector_load %arg4[%get3A_54, %get3A_55] {strides = array<i32>} : memref<2x1280xi32, #tpu.memory_space<vmem>>, vector<1x16xi32>,
        %get3A_57 = vector.shape_cast %get3A_56 : vector<1x16xi32> to vector<16xi32>
        %swap3A = arith.index_cast %add3A_53 : i32 to index
        %swap3A_58 = tpu.vector_load %arg5[%swap3A] {strides = array<i32>} : memref<1280xi32, #tpu.memory_space<vmem>>, vector<16xi32>,
        %swap3A_59 = vector.shape_cast %swap3A_58 : vector<16xi32> to vector<16xi32>
        %swap3A_60 = vector.shape_cast %get3A_57 : vector<16xi32> to vector<16xi32>
        tpu.vector_store %arg5[%swap3A], %swap3A_60 {strides = array<i32>} : memref<1280xi32, #tpu.memory_space<vmem>>, vector<16xi32>,
      }
      %scan3A_48 = arith.constant 80 : i32
      "tpu.region"() ({
        %run_scoped3A = tpu.sem_alloc : memref<!tpu.dma_semaphore, #tpu.memory_space<semaphore_mem>>
        %dma_start3A = arith.constant 0 : i32
        %dma_start3A_49 = tpu.memref_slice %arg7[%dma_start3A] : memref<10000xf32, #tpu.memory_space<vmem_shared>> -> memref<10000xf32, #tpu.memory_space<vmem_shared>>
        tpu.enqueue_indirect_dma source(%arg6 : memref<1280xf32, #tpu.memory_space<vmem>>) target(%dma_start3A_49 : memref<10000xf32, #tpu.memory_space<vmem_shared>>) offsets(%arg5 : memref<1280xi32, #tpu.memory_space<vmem>>) semaphore(%run_scoped3A : memref<!tpu.dma_semaphore, #tpu.memory_space<semaphore_mem>>) {add = true}
        %dma_wait3A = arith.constant 0 : i32
        %dma_wait3A_50 = tpu.memref_slice %arg7[%dma_wait3A] : memref<10000xf32, #tpu.memory_space<vmem_shared>> -> memref<10000xf32, #tpu.memory_space<vmem_shared>>
        tpu.wait_indirect_dma semaphore(%run_scoped3A : memref<!tpu.dma_semaphore, #tpu.memory_space<semaphore_mem>>) src(%arg6 : memref<1280xf32, #tpu.memory_space<vmem>>) dst(%dma_wait3A_50 : memref<10000xf32, #tpu.memory_space<vmem_shared>>)
        tpu.yield
      }) : () -> ()
    }
    %scan3A_15 = arith.constant 7 : i32
    %lt3A = arith.constant 13 : i32
    %lt3A_16 = arith.cmpi slt, %arg1, %lt3A : i32
    %convert_element_type3A_17 = arith.extui %lt3A_16 : i1 to i32
    %cond3A_18 = arith.constant 0 : i32
    %cond3A_19 = arith.cmpi ne, %convert_element_type3A_17, %cond3A_18 : i32
    scf.if %cond3A_19 {
      %add3A = arith.constant 112 : i32
      %add3A_32 = arith.addi %arg1, %add3A : i32
      %mul3A_33 = arith.constant 160000 : i32
      %mul3A_34 = arith.muli %arg0, %mul3A_33 : i32
      %mul3A_35 = arith.constant 1280 : i32
      %mul3A_36 = arith.muli %add3A_32, %mul3A_35 : i32
      %add3A_37 = arith.addi %mul3A_34, %mul3A_36 : i32
      "tpu.region"() ({
        %run_scoped3A = tpu.sem_alloc : memref<!tpu.dma_semaphore, #tpu.memory_space<semaphore_mem>>
        %dma_start3A = arith.constant 0 : i32
        %dma_start3A_43 = tpu.memref_slice %arg2[%dma_start3A, %add3A_37] : memref<2x320000xi32, #tpu.memory_space<hbm>> -> memref<2x1280xi32, #tpu.memory_space<hbm>>
        %dma_start3A_44 = arith.constant 0 : i32
        %dma_start3A_45 = tpu.memref_slice %arg2[%dma_start3A_44, %add3A_37] : memref<2x320000xi32, #tpu.memory_space<hbm>> -> memref<2x1280xi32, #tpu.memory_space<hbm>>
        tpu.enqueue_dma source(%dma_start3A_45 : memref<2x1280xi32, #tpu.memory_space<hbm>>) target(%arg4 : memref<2x1280xi32, #tpu.memory_space<vmem>>) target_semaphore(%run_scoped3A : memref<!tpu.dma_semaphore, #tpu.memory_space<semaphore_mem>>)
        %dma_wait3A = arith.constant 0 : i32
        %dma_wait3A_46 = tpu.memref_slice %arg2[%dma_wait3A, %add3A_37] : memref<2x320000xi32, #tpu.memory_space<hbm>> -> memref<2x1280xi32, #tpu.memory_space<hbm>>
        %dma_wait3A_47 = arith.constant 0 : i32
        %dma_wait3A_48 = tpu.memref_slice %arg2[%dma_wait3A_47, %add3A_37] : memref<2x320000xi32, #tpu.memory_space<hbm>> -> memref<2x1280xi32, #tpu.memory_space<hbm>>
        tpu.wait_dma2 semaphore(%run_scoped3A : memref<!tpu.dma_semaphore, #tpu.memory_space<semaphore_mem>>) src(%dma_wait3A_48 : memref<2x1280xi32, #tpu.memory_space<hbm>>) dst(%arg4 : memref<2x1280xi32, #tpu.memory_space<vmem>>)
        tpu.yield
      }) : () -> ()
      %scan3A_38 = arith.constant 0 : i32
      %scan3A_39 = arith.constant 80 : i32
      %scan3A_40 = arith.addi %scan3A_38, %scan3A_39 : i32
      %scan3A_41 = arith.constant 1 : i32
      scf.for %scan3A_43 = %scan3A_38 to %scan3A_40 step %scan3A_41  : i32 {
        %mul3A_44 = arith.constant 16 : i32
        %mul3A_45 = arith.muli %scan3A_43, %mul3A_44 : i32
        %add3A_46 = arith.constant 0 : i32
        %add3A_47 = arith.addi %add3A_46, %mul3A_45 : i32
        %get3A = arith.constant 1 : i32
        %get3A_48 = arith.index_cast %get3A : i32 to index
        %get3A_49 = arith.index_cast %add3A_47 : i32 to index
        %get3A_50 = tpu.vector_load %arg4[%get3A_48, %get3A_49] {strides = array<i32>} : memref<2x1280xi32, #tpu.memory_space<vmem>>, vector<1x16xi32>,
        %get3A_51 = vector.shape_cast %get3A_50 : vector<1x16xi32> to vector<16xi32>
        %swap3A = arith.index_cast %add3A_47 : i32 to index
        %swap3A_52 = tpu.vector_load %arg5[%swap3A] {strides = array<i32>} : memref<1280xi32, #tpu.memory_space<vmem>>, vector<16xi32>,
        %swap3A_53 = vector.shape_cast %swap3A_52 : vector<16xi32> to vector<16xi32>
        %swap3A_54 = vector.shape_cast %get3A_51 : vector<16xi32> to vector<16xi32>
        tpu.vector_store %arg5[%swap3A], %swap3A_54 {strides = array<i32>} : memref<1280xi32, #tpu.memory_space<vmem>>, vector<16xi32>,
      }
      %scan3A_42 = arith.constant 80 : i32
      "tpu.region"() ({
        %run_scoped3A = tpu.sem_alloc : memref<!tpu.dma_semaphore, #tpu.memory_space<semaphore_mem>>
        %dma_start3A = arith.constant 0 : i32
        %dma_start3A_43 = tpu.memref_slice %arg7[%dma_start3A] : memref<10000xf32, #tpu.memory_space<vmem_shared>> -> memref<10000xf32, #tpu.memory_space<vmem_shared>>
        tpu.enqueue_indirect_dma source(%arg6 : memref<1280xf32, #tpu.memory_space<vmem>>) target(%dma_start3A_43 : memref<10000xf32, #tpu.memory_space<vmem_shared>>) offsets(%arg5 : memref<1280xi32, #tpu.memory_space<vmem>>) semaphore(%run_scoped3A : memref<!tpu.dma_semaphore, #tpu.memory_space<semaphore_mem>>) {add = true}
        %dma_wait3A = arith.constant 0 : i32
        %dma_wait3A_44 = tpu.memref_slice %arg7[%dma_wait3A] : memref<10000xf32, #tpu.memory_space<vmem_shared>> -> memref<10000xf32, #tpu.memory_space<vmem_shared>>
        tpu.wait_indirect_dma semaphore(%run_scoped3A : memref<!tpu.dma_semaphore, #tpu.memory_space<semaphore_mem>>) src(%arg6 : memref<1280xf32, #tpu.memory_space<vmem>>) dst(%dma_wait3A_44 : memref<10000xf32, #tpu.memory_space<vmem_shared>>)
        tpu.yield
      }) : () -> ()
    } else {
    }
    %barrier3A_20 = arith.constant 0 : index
    tpu.barrier barrier_id(%barrier3A_20)
    %mul3A = arith.constant 624 : i32
    %mul3A_21 = arith.muli %arg1, %mul3A : i32
    %lt3A_22 = arith.constant 15 : i32
    %lt3A_23 = arith.cmpi slt, %arg1, %lt3A_22 : i32
    %convert_element_type3A_24 = arith.extui %lt3A_23 : i1 to i32
    %cond3A_25 = arith.constant 0 : i32
    %cond3A_26 = arith.cmpi ne, %convert_element_type3A_24, %cond3A_25 : i32
    scf.if %cond3A_26 {
      "tpu.region"() ({
        %run_scoped3A = tpu.sem_alloc : memref<!tpu.dma_semaphore, #tpu.memory_space<semaphore_mem>>
        %dma_start3A = arith.constant 0 : i32
        %dma_start3A_34 = tpu.memref_slice %arg6[%dma_start3A] : memref<1280xf32, #tpu.memory_space<vmem>> -> memref<624xf32, #tpu.memory_space<vmem>>
        %dma_start3A_35 = tpu.memref_slice %arg7[%mul3A_21] : memref<10000xf32, #tpu.memory_space<vmem_shared>> -> memref<624xf32, #tpu.memory_space<vmem_shared>>
        %dma_start3A_36 = arith.constant 0 : i32
        %dma_start3A_37 = tpu.memref_slice %arg6[%dma_start3A_36] : memref<1280xf32, #tpu.memory_space<vmem>> -> memref<624xf32, #tpu.memory_space<vmem>>
        %dma_start3A_38 = tpu.memref_slice %arg7[%mul3A_21] : memref<10000xf32, #tpu.memory_space<vmem_shared>> -> memref<624xf32, #tpu.memory_space<vmem_shared>>
        tpu.enqueue_dma source(%dma_start3A_38 : memref<624xf32, #tpu.memory_space<vmem_shared>>) target(%dma_start3A_37 : memref<624xf32, #tpu.memory_space<vmem>>) target_semaphore(%run_scoped3A : memref<!tpu.dma_semaphore, #tpu.memory_space<semaphore_mem>>)
        %dma_wait3A = arith.constant 0 : i32
        %dma_wait3A_39 = tpu.memref_slice %arg6[%dma_wait3A] : memref<1280xf32, #tpu.memory_space<vmem>> -> memref<624xf32, #tpu.memory_space<vmem>>
        %dma_wait3A_40 = tpu.memref_slice %arg7[%mul3A_21] : memref<10000xf32, #tpu.memory_space<vmem_shared>> -> memref<624xf32, #tpu.memory_space<vmem_shared>>
        %dma_wait3A_41 = arith.constant 0 : i32
        %dma_wait3A_42 = tpu.memref_slice %arg6[%dma_wait3A_41] : memref<1280xf32, #tpu.memory_space<vmem>> -> memref<624xf32, #tpu.memory_space<vmem>>
        %dma_wait3A_43 = tpu.memref_slice %arg7[%mul3A_21] : memref<10000xf32, #tpu.memory_space<vmem_shared>> -> memref<624xf32, #tpu.memory_space<vmem_shared>>
        tpu.wait_dma2 semaphore(%run_scoped3A : memref<!tpu.dma_semaphore, #tpu.memory_space<semaphore_mem>>) src(%dma_wait3A_43 : memref<624xf32, #tpu.memory_space<vmem_shared>>) dst(%dma_wait3A_42 : memref<624xf32, #tpu.memory_space<vmem>>)
        tpu.yield
      }) : () -> ()
      %mul3A_32 = arith.constant 10000 : i32
      %mul3A_33 = arith.muli %arg0, %mul3A_32 : i32
      %add3A = arith.addi %mul3A_33, %mul3A_21 : i32
      "tpu.region"() ({
        %run_scoped3A = tpu.sem_alloc : memref<!tpu.dma_semaphore, #tpu.memory_space<semaphore_mem>>
        %dma_start3A = arith.constant 0 : i32
        %dma_start3A_34 = tpu.memref_slice %arg6[%dma_start3A] : memref<1280xf32, #tpu.memory_space<vmem>> -> memref<624xf32, #tpu.memory_space<vmem>>
        %dma_start3A_35 = tpu.memref_slice %arg3[%add3A] : memref<20000xf32, #tpu.memory_space<hbm>> -> memref<624xf32, #tpu.memory_space<hbm>>
        %dma_start3A_36 = tpu.memref_slice %arg3[%add3A] : memref<20000xf32, #tpu.memory_space<hbm>> -> memref<624xf32, #tpu.memory_space<hbm>>
        %dma_start3A_37 = arith.constant 0 : i32
        %dma_start3A_38 = tpu.memref_slice %arg6[%dma_start3A_37] : memref<1280xf32, #tpu.memory_space<vmem>> -> memref<624xf32, #tpu.memory_space<vmem>>
        tpu.enqueue_dma source(%dma_start3A_38 : memref<624xf32, #tpu.memory_space<vmem>>) target(%dma_start3A_36 : memref<624xf32, #tpu.memory_space<hbm>>) target_semaphore(%run_scoped3A : memref<!tpu.dma_semaphore, #tpu.memory_space<semaphore_mem>>)
        %dma_wait3A = arith.constant 0 : i32
        %dma_wait3A_39 = tpu.memref_slice %arg6[%dma_wait3A] : memref<1280xf32, #tpu.memory_space<vmem>> -> memref<624xf32, #tpu.memory_space<vmem>>
        %dma_wait3A_40 = tpu.memref_slice %arg3[%add3A] : memref<20000xf32, #tpu.memory_space<hbm>> -> memref<624xf32, #tpu.memory_space<hbm>>
        %dma_wait3A_41 = tpu.memref_slice %arg3[%add3A] : memref<20000xf32, #tpu.memory_space<hbm>> -> memref<624xf32, #tpu.memory_space<hbm>>
        %dma_wait3A_42 = arith.constant 0 : i32
        %dma_wait3A_43 = tpu.memref_slice %arg6[%dma_wait3A_42] : memref<1280xf32, #tpu.memory_space<vmem>> -> memref<624xf32, #tpu.memory_space<vmem>>
        tpu.wait_dma2 semaphore(%run_scoped3A : memref<!tpu.dma_semaphore, #tpu.memory_space<semaphore_mem>>) src(%dma_wait3A_43 : memref<624xf32, #tpu.memory_space<vmem>>) dst(%dma_wait3A_41 : memref<624xf32, #tpu.memory_space<hbm>>)
        tpu.yield
      }) : () -> ()
    } else {
    }
    %eq3A_27 = arith.constant 15 : i32
    %eq3A_28 = arith.cmpi eq, %arg1, %eq3A_27 : i32
    %convert_element_type3A_29 = arith.extui %eq3A_28 : i1 to i32
    %cond3A_30 = arith.constant 0 : i32
    %cond3A_31 = arith.cmpi ne, %convert_element_type3A_29, %cond3A_30 : i32
    scf.if %cond3A_31 {
      "tpu.region"() ({
        %run_scoped3A = tpu.sem_alloc : memref<!tpu.dma_semaphore, #tpu.memory_space<semaphore_mem>>
        %dma_start3A = arith.constant 0 : i32
        %dma_start3A_34 = tpu.memref_slice %arg6[%dma_start3A] : memref<1280xf32, #tpu.memory_space<vmem>> -> memref<640xf32, #tpu.memory_space<vmem>>
        %dma_start3A_35 = tpu.memref_slice %arg7[%mul3A_21] : memref<10000xf32, #tpu.memory_space<vmem_shared>> -> memref<640xf32, #tpu.memory_space<vmem_shared>>
        %dma_start3A_36 = arith.constant 0 : i32
        %dma_start3A_37 = tpu.memref_slice %arg6[%dma_start3A_36] : memref<1280xf32, #tpu.memory_space<vmem>> -> memref<640xf32, #tpu.memory_space<vmem>>
        %dma_start3A_38 = tpu.memref_slice %arg7[%mul3A_21] : memref<10000xf32, #tpu.memory_space<vmem_shared>> -> memref<640xf32, #tpu.memory_space<vmem_shared>>
        tpu.enqueue_dma source(%dma_start3A_38 : memref<640xf32, #tpu.memory_space<vmem_shared>>) target(%dma_start3A_37 : memref<640xf32, #tpu.memory_space<vmem>>) target_semaphore(%run_scoped3A : memref<!tpu.dma_semaphore, #tpu.memory_space<semaphore_mem>>)
        %dma_wait3A = arith.constant 0 : i32
        %dma_wait3A_39 = tpu.memref_slice %arg6[%dma_wait3A] : memref<1280xf32, #tpu.memory_space<vmem>> -> memref<640xf32, #tpu.memory_space<vmem>>
        %dma_wait3A_40 = tpu.memref_slice %arg7[%mul3A_21] : memref<10000xf32, #tpu.memory_space<vmem_shared>> -> memref<640xf32, #tpu.memory_space<vmem_shared>>
        %dma_wait3A_41 = arith.constant 0 : i32
        %dma_wait3A_42 = tpu.memref_slice %arg6[%dma_wait3A_41] : memref<1280xf32, #tpu.memory_space<vmem>> -> memref<640xf32, #tpu.memory_space<vmem>>
        %dma_wait3A_43 = tpu.memref_slice %arg7[%mul3A_21] : memref<10000xf32, #tpu.memory_space<vmem_shared>> -> memref<640xf32, #tpu.memory_space<vmem_shared>>
        tpu.wait_dma2 semaphore(%run_scoped3A : memref<!tpu.dma_semaphore, #tpu.memory_space<semaphore_mem>>) src(%dma_wait3A_43 : memref<640xf32, #tpu.memory_space<vmem_shared>>) dst(%dma_wait3A_42 : memref<640xf32, #tpu.memory_space<vmem>>)
        tpu.yield
      }) : () -> ()
      %mul3A_32 = arith.constant 10000 : i32
      %mul3A_33 = arith.muli %arg0, %mul3A_32 : i32
      %add3A = arith.addi %mul3A_33, %mul3A_21 : i32
      "tpu.region"() ({
        %run_scoped3A = tpu.sem_alloc : memref<!tpu.dma_semaphore, #tpu.memory_space<semaphore_mem>>
        %dma_start3A = arith.constant 0 : i32
        %dma_start3A_34 = tpu.memref_slice %arg6[%dma_start3A] : memref<1280xf32, #tpu.memory_space<vmem>> -> memref<640xf32, #tpu.memory_space<vmem>>
        %dma_start3A_35 = tpu.memref_slice %arg3[%add3A] : memref<20000xf32, #tpu.memory_space<hbm>> -> memref<640xf32, #tpu.memory_space<hbm>>
        %dma_start3A_36 = tpu.memref_slice %arg3[%add3A] : memref<20000xf32, #tpu.memory_space<hbm>> -> memref<640xf32, #tpu.memory_space<hbm>>
        %dma_start3A_37 = arith.constant 0 : i32
        %dma_start3A_38 = tpu.memref_slice %arg6[%dma_start3A_37] : memref<1280xf32, #tpu.memory_space<vmem>> -> memref<640xf32, #tpu.memory_space<vmem>>
        tpu.enqueue_dma source(%dma_start3A_38 : memref<640xf32, #tpu.memory_space<vmem>>) target(%dma_start3A_36 : memref<640xf32, #tpu.memory_space<hbm>>) target_semaphore(%run_scoped3A : memref<!tpu.dma_semaphore, #tpu.memory_space<semaphore_mem>>)
        %dma_wait3A = arith.constant 0 : i32
        %dma_wait3A_39 = tpu.memref_slice %arg6[%dma_wait3A] : memref<1280xf32, #tpu.memory_space<vmem>> -> memref<640xf32, #tpu.memory_space<vmem>>
        %dma_wait3A_40 = tpu.memref_slice %arg3[%add3A] : memref<20000xf32, #tpu.memory_space<hbm>> -> memref<640xf32, #tpu.memory_space<hbm>>
        %dma_wait3A_41 = tpu.memref_slice %arg3[%add3A] : memref<20000xf32, #tpu.memory_space<hbm>> -> memref<640xf32, #tpu.memory_space<hbm>>
        %dma_wait3A_42 = arith.constant 0 : i32
        %dma_wait3A_43 = tpu.memref_slice %arg6[%dma_wait3A_42] : memref<1280xf32, #tpu.memory_space<vmem>> -> memref<640xf32, #tpu.memory_space<vmem>>
        tpu.wait_dma2 semaphore(%run_scoped3A : memref<!tpu.dma_semaphore, #tpu.memory_space<semaphore_mem>>) src(%dma_wait3A_43 : memref<640xf32, #tpu.memory_space<vmem>>) dst(%dma_wait3A_41 : memref<640xf32, #tpu.memory_space<hbm>>)
        tpu.yield
      }) : () -> ()
    } else {
    }
    return
  }
}

</mosaic_0001>

<sc_bundles>
// kernel: _sc_degree.3.cloned.1.call-start
scs
__scs_entry_jumppad:
0x0: {  	(pc) =	sbr.rel $0x88, $3  }
0x1: {  	(tag) =	ssettag $0x0;
	lr =	simm.s32 $0x1  }
0x2: {  	[smem:$0x3FA0] =	sst lr;
	_ =	strace $0xD0000000  }
0x3: {  	_ = 	snop  }
0x4: {  	_ = 	snop  }
0x5: {  	_ = 	snop  }
0x6: {  	_ = 	snop  }
0x7: {  	_ = 	snop  }
__scs_overlays_trampoline_lowered:
0x8: {  	[smem:$0x3FAF] =	sst s0  }
0x9: {  	[smem:$0x3FB0] =	sst s1  }
0xa: {  	[smem:$0x3FB1] =	sst s2  }
0xb: {  	[smem:$0x3FB2] =	sst s3  }
0xc: {  	[smem:$0x3FB3] =	sst s4  }
0xd: {  	[smem:$0x3FB4] =	sst s5  }
0xe: {  	[smem:$0x3FB5] =	sst s6  }
0xf: {  	[smem:$0x3FB6] =	sst s7  }
0x10: {  	[smem:$0x3FB7] =	sst s8  }
0x11: {  	[smem:$0x3FB8] =	sst s9;
	s0 =	simm.s32 @!p0 $0x0  }
0x12: {  	s1 =	sld [smem:$0x3F9E];
	s0 =	simm.s32 @p0 $0x1  }
0x13: {  	[smem:$0x3FB9] =	sst s0;
	s0 =	simm.s32 @!p1 $0x0  }
0x14: {  	s2 =	sld [smem:$0x3F9D];
	s0 =	simm.s32 @p1 $0x1  }
0x15: {  	[smem:$0x3FBA] =	sst s0;
	s0 =	simm.s32 @!p2 $0x0  }
0x16: {  	s3 =	sld [smem:$0x3FDB];
	s0 =	simm.s32 @p2 $0x1  }
0x17: {  	s4 =	simm.s32 $0x1BF5;
	[smem:$0x3FBC] =	sst s0  }
0x18: {  	s0 =	sld [smem:$0x3F9F];
	_ =	swait.ge [sflag:s4], $0x0  }
0x19: {  	s7 =	sld [smem:$0x3FA0]  }
0x1a: {  	s8 =	sadd.s32 $0xFFFFE003, lr  }
0x1b: {  	s9 =	sadd.s32 $0xFFFFFEF7, lr;
	s5 =	simm.s32 $0xFFFFFFFF;
	p2 =	slt.u32 s8, $0xFFFFF086  }
0x1c: {  	p1 =	slt.u32 s9, $0xF7A;
	s5 =	simm.s32 @!p2 $0x0  }
0x1d: {  	s5 =	simm.s32 @p1 $0x1;
	p0 =	seq.s32 s7, s2  }
0x1e: {  	s7 =	smul.u32 @!p0 $0xF7A, s2;
	p2 =	seq.s32 @!p0 s5, $0x0  }
0x1f: {  	s9 =	smul.u32 $0xF7A, s1;
	s8 =	simm.s32 @!p0 $0x1BF5;
	p2 =	por !p2, p0  }
0x20: {  	[sflag:s8] =	ssyncset.s32 @!p0 $0xFFFFF086;
	s6 =	sadd.s32 @!p0 s3, s7;
	s7 =	simm.s32 @!p0 $0x108  }
0x21: {  	s3 =	sadd.s32 s3, s9;
	s6 =	sadd.s32 @!p0 $0x88, s6;
	s7 =	simm.s32 @p2 $0x1082  }
0x22: {  	[simem:s7], [sflag:s8] =	dma.local @!p0 [hbm:s6], $0xF7A  }
0x23: {  	s9 =	sor.u32 $0xD0000000, s2;
	s6 =	simm.s32 $0x108;
	_ =	swait.ge @!p0 [sflag:s8], $0x0  }
0x24: {  	s3 =	sadd.s32 $0x88, s3;
	s6 =	simm.s32 @!p1 $0x1082;
	[sflag:s4] =	ssyncset.s32 $0xFFFFF086  }
0x25: {  	[simem:s6], [sflag:s4] =	dma.local [hbm:s3], $0xF7A  }
0x26: {  	[smem:$0x3FA0] =	sst s1;
	(tag) =	ssettag s2;
	_ =	strace s9  }
0x27: {  	s1 =	sld [smem:$0x3FB0]  }
0x28: {  	s2 =	sld [smem:$0x3FB1]  }
0x29: {  	s4 =	sld [smem:$0x3FB3]  }
0x2a: {  	p0 =	seq.s32 s5, $0x0;
	s5 =	sld [smem:$0x3FB4]  }
0x2b: {  	s6 =	sld [smem:$0x3FB5]  }
0x2c: {  	s7 =	sld [smem:$0x3FB6]  }
0x2d: {  	s3 =	simm.s32 $0x108;
	s8 =	sld [smem:$0x3FB7]  }
0x2e: {  	s3 =	simm.s32 @!p0 $0x1082;
	s9 =	sld [smem:$0x3FB8]  }
0x2f: {  	lr =	sadd.s32 s0, s3;
	s0 =	sld [smem:$0x3FAF]  }
0x30: {  	s3 =	sld [smem:$0x3FB2]  }
0x31: {  	[smem:$0x3FBB] =	sst s10  }
0x32: {  	s10 =	sld [smem:$0x3FB9];
	_ =	sdelay $0x3  }
0x33: {  	p0 =	seq.s32 s10, $0x1;
	s10 =	sld [smem:$0x3FBB];
	_ =	sdelay $0x3  }
0x34: {  	[smem:$0x3FBB] =	sst s10  }
0x35: {  	s10 =	sld [smem:$0x3FBA];
	_ =	sdelay $0x3  }
0x36: {  	p1 =	seq.s32 s10, $0x1;
	s10 =	sld [smem:$0x3FBB];
	_ =	sdelay $0x3  }
0x37: {  	[smem:$0x3FBB] =	sst s10  }
0x38: {  	s10 =	sld [smem:$0x3FBC]  }
0x39: {  	_ = 	snop;
	(pc) =	sbr.ind lr, $3  }
0x3a: {  	_ = 	snop  }
0x3b: {  	_ = 	snop  }
0x3c: {  	p2 =	seq.s32 s10, $0x1;
	s10 =	sld [smem:$0x3FBB]  }
0x3d: {  	_ =	shalt  }
0x3e: {  	_ =	shalt  }
0x3f: {  	_ =	shalt  }
0x40: {  	_ =	shalt  }
0x41: {  	_ =	shalt  }
0x42: {  	_ =	shalt  }
0x43: {  	_ =	shalt  }
0x44: {  	_ =	shalt  }
0x45: {  	_ =	shalt  }
0x46: {  	_ =	shalt  }
0x47: {  	_ =	shalt  }
0x48: {  	_ =	shalt  }
0x49: {  	_ =	shalt  }
0x4a: {  	_ =	shalt  }
0x4b: {  	_ =	shalt  }
0x4c: {  	_ =	shalt  }
0x4d: {  	_ =	shalt  }
0x4e: {  	_ =	shalt  }
0x4f: {  	_ =	shalt  }
0x50: {  	_ =	shalt  }
0x51: {  	_ =	shalt  }
0x52: {  	_ =	shalt  }
0x53: {  	_ =	shalt  }
0x54: {  	_ =	shalt  }
0x55: {  	_ =	shalt  }
0x56: {  	_ =	shalt  }
0x57: {  	_ =	shalt  }
0x58: {  	_ =	shalt  }
0x59: {  	_ =	shalt  }
0x5a: {  	_ =	shalt  }
0x5b: {  	_ =	shalt  }
0x5c: {  	_ =	shalt  }
0x5d: {  	_ =	shalt  }
0x5e: {  	_ =	shalt  }
0x5f: {  	_ =	shalt  }
0x60: {  	_ =	shalt  }
0x61: {  	_ =	shalt  }
0x62: {  	_ =	shalt  }
0x63: {  	_ =	shalt  }
0x64: {  	_ =	shalt  }
0x65: {  	_ =	shalt  }
0x66: {  	_ =	shalt  }
0x67: {  	_ =	shalt  }
0x68: {  	_ =	shalt  }
0x69: {  	_ =	shalt  }
0x6a: {  	_ =	shalt  }
0x6b: {  	_ =	shalt  }
0x6c: {  	_ =	shalt  }
0x6d: {  	_ =	shalt  }
0x6e: {  	_ =	shalt  }
0x6f: {  	_ =	shalt  }
0x70: {  	_ =	shalt  }
0x71: {  	_ =	shalt  }
0x72: {  	_ =	shalt  }
0x73: {  	_ =	shalt  }
0x74: {  	_ =	shalt  }
0x75: {  	_ =	shalt  }
0x76: {  	_ =	shalt  }
0x77: {  	_ =	shalt  }
0x78: {  	_ =	shalt  }
0x79: {  	_ =	shalt  }
0x7a: {  	_ =	shalt  }
0x7b: {  	_ =	shalt  }
0x7c: {  	_ =	shalt  }
0x7d: {  	_ =	shalt  }
0x7e: {  	_ =	shalt  }
0x7f: {  	_ =	shalt  }
0x80: {  	_ =	shalt  }
0x81: {  	_ =	shalt  }
0x82: {  	_ =	shalt  }
0x83: {  	_ =	shalt  }
0x84: {  	_ =	shalt  }
0x85: {  	_ =	shalt  }
0x86: {  	_ =	shalt  }
0x87: {  	_ =	shalt  }
.Lfunc_end0:
.L_simem_size_0:
called_computation_lowered:
.L_overlay_start_0:
0x88: {  	s2 =	sld [smem:$0x3FD9]  }
0x89: {  	s3 =	sld [smem:$0x3FFE];
	_ =	sdelay $0x1  }
0x8a: {  	s1 =	srdreg.scid  }
0x8b: {  	s0 =	sand.u32 $0x1, s1  }
0x8c: {  	s18 =	sshll.u32 s0, $0xA;
	s2 =	sadd.s32 s3, s2  }
0x8d: {  	s2 =	sadd.s32 s2, s18  }
0x8e: {  	[smem:$0x3FC7] =	sst s2  }
0x8f: {  	_ = 	snop  }
0x90: {  	s2 =	sld [smem:$0x3FC9]  }
0x91: {  	s19 =	sld [smem:$0x3FD0];
	(tm) =	ssettm $0x1  }
0x92: {  	s4 =	sld [smem:$0x3FFB];
	_ =	sdelay $0x3  }
0x93: {  	_ =	strace s4  }
0x94: {  	s4 =	sld [smem:$0x3FFC];
	_ =	sdelay $0x3  }
0x95: {  	_ =	strace s4  }
0x96: {  	s4 =	sld [smem:$0x3FFD];
	_ =	sdelay $0x3  }
0x97: {  	_ =	strace s4  }
0x98: {  	_ =	strace $0x8FFFFFFF  }
0x99: {  	s20 =	sld [smem:$0x3FDB];
	_ =	sdelay $0x1  }
0x9a: {  	s5 =	simm.s32 $_scs_section_size  }
0x9b: {  	s6 =	simm.s32 $_size__tile_overlayer_lowered;
	s7 =	simm.s32 $_tile_overlayer_lowered  }
0x9c: {  	s23 =	simm.s32 $0x1BFF;
	s22 =	sshll.u32 s7, $0x1;
	s4 =	sadd.s32 s5, s20  }
0x9d: {  	s8 =	simm.s32 $0x0;
	s21 =	sshll.u32 s6, $0x1;
	s6 =	sadd.s32 s22, s4  }
0x9e: {  	[timem:s8], [sflag:s23] =	dma.local [hbm:s6], s21  }
0x9f: {  	_ =	swait.ge [sflag:s23], s21  }
0xa0: {  	s5 =	ssub.s32 $0x0, s21;
	[sflag:s23] =	ssyncset.done $0x0  }
0xa1: {  	[sflag:s23] =	ssyncadd.s32 s5;
	_ =	sdelay $0x1  }
0xa2: {  	s24 =	simm.s32 $0x1B8B  }
0xa3: {  	_ =	swait.ge [sflag:s24], $0x1  }
0xa4: {  	[sflag:s24] =	ssyncset.done $0x0  }
0xa5: {  	s25 =	simm.s32 $0x1B8E;
	[sflag:s24] =	ssyncadd.s32 $0xFFFFFFFF  }
0xa6: {  	s26 =	simm.s32 $execute0_lowered;
	[smem:$0x3FD2] =	sst s25  }
0xa7: {  	s5 =	sshll.u32 s26, $0x1;
	_ =	strace $0x80000046;
	[dreg:$0x1] =	wrdreg $0xFFFFFFFF  }
0xa8: {  	s28 =	simm.s32 $_size_execute0_lowered;
	s4 =	sadd.s32 s4, s5;
	[dreg:$0x0] =	wrdreg $0x0  }
0xa9: {  	s5 =	sshll.u32 s28, $0x1;
	[dreg:$0x2] =	wrdreg s4  }
0xaa: {  	[dreg:$0x3] =	wrdreg s5  }
0xab: {  	[dreg:$0x4] =	wrdreg $0xC0  }
0xac: {  	_ =	task [dreg:s8], $0x5FFFF  }
0xad: {  	[dreg:$0x1] =	wrdreg $0xFFFFFFFF  }
0xae: {  	[dreg:$0x0] =	wrdreg $0x60  }
0xaf: {  	[dreg:$0x2] =	wrdreg s2  }
0xb0: {  	[dreg:$0x3] =	wrdreg s19  }
0xb1: {  	[dreg:$0x4] =	wrdreg $0x14000  }
0xb2: {  	[dreg:$0x5] =	wrdreg $0x9  }
0xb3: {  	_ =	task.clear_ibuf [dreg:s8], $0x6FFFF;
	_ =	strace $0x90000046  }
0xb4: {  	s29 =	simm.s32 $0x9;
	_ =	strace $0x80000048  }
0xb5: {  	_ =	swait.ge [sflag:s29], $0x1  }
0xb6: {  	[sflag:s29] =	ssyncadd.s32 $0xFFFFFFFF  }
0xb7: {  	_ =	strace $0x90000048  }
0xb8: {  	_ =	sfence  }
0xb9: {  	s30 =	sld [smem:$0x0];
	_ =	sdelay $0x2  }
0xba: {  	s31 =	sshll.u32 s1, $0xD;
	s1 =	sshrl.u32 s1, $0x2  }
0xbb: {  	s3 =	sand.u32 $0x4000, s31;
	s1 =	sadd.s32 s1, s30  }
0xbc: {  	s0 =	sor.u32 s3, s0;
	s1 =	sshll.u32 s1, $0x11  }
0xbd: {  	s0 =	sor.u32 s1, s0  }
0xbe: {  	s0 =	sadd.s32 $0x8F2B, s0  }
0xbf: {  	[sflag:s0] =	ssyncadd.remote.s32 $0x1  }
0xc0: {  	_ =	sfence.sel $0xFFFF  }
0xc1: {  	[dreg:$0x0] =	wrdreg $0xFFFFFFFF;
	(pc) =	sbr.abs _section_cstart, $3  }
0xc2: {  	[dreg:$0x1] =	wrdreg $0xFFFFFFFF  }
0xc3: {  	_ =	task.clear_ibuf [dreg:s8], $0x2FFFF;
	_ =	strace $0x9FFFFFFF  }
0xc4: {  	(tm) =	ssettm $0x7FFFFFFF  }
0xc5: {  	_ =	shalt  }
tec
execute0_lowered:
.L_overlay_start_1:
0x0: {  	(tag) =	ssettag $0x1  }
0x1: {  	s1 =	rddreg [dreg:$0x0]  }
0x2: {  	s9 =	rddreg [dreg:$0x1]  }
0x3: {  	s2 =	rddreg [dreg:$0x2];
	s3 =	srdreg.scid  }
0x4: {  	s0 =	rddreg [dreg:$0x3];
	s4 =	stileid.u32  }
0x5: {  	s18 =	simm.s32 $0x1;
	s19 =	simm.s32 $0x500;
	s20 =	simm.s32 $0xA00  }
0x6: {  	s21 =	simm.s32 $0xF00;
	s22 =	simm.s32 $0x0;
	s7 =	smul.u32 $0x500, s4  }
0x7: {  	s6 =	sand.u32 $0x1, s3;
	s3 =	simm.s32 $0x0;
	s10 =	smul.u32 $0x270, s4  }
0x8: {  	s14 =	sadd.s32 $0xF00, s2;
	s15 =	sadd.s32 $0x1400, s2;
	s16 =	sadd.s32 $0x1900, s2  }
0x9: {  	s17 =	sadd.s32 $0x1E00, s2;
	p0 =	sne.s32 s4, $0x0;
	p1 =	sgt.u32 s4, $0xC  }
0xa: {  	p2 =	seq.s32 s4, $0xF;
	s5 =	smul.u32 $0x27100, s6;
	[smem:$0x7FF] =	sst s3  }
0xb: {  	s8 =	ssub.s32 $0x2, s6;
	s12 =	smul.u32 $0x2710, s6;
	s6 =	sadd.s32 $0x2300, s2  }
0xc: {  	_ =	strace $0x80000047;
	s11 =	sshrl.u32 s8, $0x1;
	s7 =	sadd.s32 s5, s7  }
.Ltmp0:
0xd: {  	s11 =	ssub.s32 s8, s11;
	s31 =	sadd.s32 s10, s12;
	(pc) =	sbr.rel .LBB2_1-.Ltmp0, $4  }
0xe: {  	s12 =	sshrl.u32 s12, $0x3;
	s8 =	sadd.s32 s10, s2;
	s7 =	sshrl.u32 s7, $0x2  }
0xf: {  	s13 =	sshrl.u32 s31, $0x3;
	s12 =	sadd.s32 s9, s12;
	s11 =	smax.u32 s11, $0x1  }
0x10: {  	s7 =	sadd.s32 s1, s7;
	s9 =	sadd.s32 s9, s13;
	s10 =	sadd.s32 $0x492, s12  }
0x11: {  	v0 =	vimm.f32 $0.0e+00;
	v1 =	vimm.f32 $1.000000000e+00;
	s12 =	sadd.s32 $0x500, s2;
	s13 =	sadd.s32 $0xA00, s2;
	s7 =	sadd.s32 $0x8C00, s7  }
.LBB2_15:
0x12: {  	[tilespmem:s21], [sflag:$0x1] =	stream.linear.gather [spmem:s8], $0x280, $0x38;
	[tilespmem:$0x1678] =	vst v63  }
0x13: {  	_ =	swait.ge [sflag:s18], $0x280  }
0x14: {  	[sflag:s18] =	ssyncset.done $0x0  }
0x15: {  	[sflag:s18] =	ssyncadd.s32 $0xFFFFFD80  }
0x16: {  	[hbm4b:s10+s3] =	stream.linear.scatter [tilespmem:s21], [sflag:$0x1], $0x280, $0x38;
	[tilespmem:$0x1678] =	vst v63  }
0x17: {  	_ =	swait.ge [sflag:s18], $0x280  }
0x18: {  	[sflag:s18] =	ssyncset.done $0x0  }
0x19: {  	[sflag:s18] =	ssyncadd.s32 $0xFFFFFD80  }
.LBB2_16:
0x1a: {  	s22 =	sadd.s32 $0x1, s22  }
0x1b: {  	p3 =	sne.s32 s22, s11  }
.Ltmp1:
0x1c: {  	_ = 	snop;
	(pc) =	sbr.rel @!p3 .LBB2_17-.Ltmp1, $1  }
0x1d: {  	_ =	sdelay $0x3  }
.LBB2_1:
0x1e: {  	s23 =	simm.s32 $0x40;
	s24 =	simm.s32 $0x0  }
.LBB2_2:
0x1f: {  	p3 =	sne.s32 s23, $0x13C0;
	[tilespmem:s24+$0xF00] =	vst v0;
	s24 =	smov.u32 s23;
	s23 =	sadd.s32 $0x40, s23  }
.Ltmp2:
0x20: {  	(pc) =	sbr.rel @p3 .LBB2_2-.Ltmp2, $2  }
0x21: {  	_ =	sdelay $0x2  }
0x22: {  	s24 =	sshra.s32 s24, $0x2  }
0x23: {  	[tilespmem:s24+$0xF00] =	vst v0;
	s23 =	simm.s32 @!p0 $0xF00;
	s24 =	simm.s32 @!p0 $0x1  }
0x24: {  	[spmem:s2] =	stream.linear.scatter @!p0 [tilespmem:s23], [sflag:$0x1], $0x500, $0x38;
	[tilespmem:$0x1678] =	vst v63  }
0x25: {  	_ =	swait.ge @!p0 [sflag:s24], $0x500  }
0x26: {  	[sflag:s24] =	ssyncset.done @!p0 $0x0  }
0x27: {  	[sflag:s24] =	ssyncadd.s32 @!p0 $0xFFFFFB00  }
0x28: {  	[spmem:s12] =	stream.linear.scatter @!p0 [tilespmem:s23], [sflag:$0x1], $0x500, $0x38;
	[tilespmem:$0x1678] =	vst v63  }
0x29: {  	_ =	swait.ge @!p0 [sflag:s24], $0x500  }
0x2a: {  	[sflag:s24] =	ssyncset.done @!p0 $0x0  }
0x2b: {  	[sflag:s24] =	ssyncadd.s32 @!p0 $0xFFFFFB00  }
0x2c: {  	[spmem:s13] =	stream.linear.scatter @!p0 [tilespmem:s23], [sflag:$0x1], $0x500, $0x38;
	[tilespmem:$0x1678] =	vst v63  }
0x2d: {  	_ =	swait.ge @!p0 [sflag:s24], $0x500  }
0x2e: {  	[sflag:s24] =	ssyncset.done @!p0 $0x0  }
0x2f: {  	[sflag:s24] =	ssyncadd.s32 @!p0 $0xFFFFFB00  }
0x30: {  	[spmem:s14] =	stream.linear.scatter @!p0 [tilespmem:s23], [sflag:$0x1], $0x500, $0x38;
	[tilespmem:$0x1678] =	vst v63  }
0x31: {  	_ =	swait.ge @!p0 [sflag:s24], $0x500  }
0x32: {  	[sflag:s24] =	ssyncset.done @!p0 $0x0  }
0x33: {  	[sflag:s24] =	ssyncadd.s32 @!p0 $0xFFFFFB00  }
0x34: {  	[spmem:s15] =	stream.linear.scatter @!p0 [tilespmem:s23], [sflag:$0x1], $0x500, $0x38;
	[tilespmem:$0x1678] =	vst v63  }
0x35: {  	_ =	swait.ge @!p0 [sflag:s24], $0x500  }
0x36: {  	[sflag:s24] =	ssyncset.done @!p0 $0x0  }
0x37: {  	[sflag:s24] =	ssyncadd.s32 @!p0 $0xFFFFFB00  }
0x38: {  	[spmem:s16] =	stream.linear.scatter @!p0 [tilespmem:s23], [sflag:$0x1], $0x500, $0x38;
	[tilespmem:$0x1678] =	vst v63  }
0x39: {  	_ =	swait.ge @!p0 [sflag:s24], $0x500  }
0x3a: {  	[sflag:s24] =	ssyncset.done @!p0 $0x0  }
0x3b: {  	[sflag:s24] =	ssyncadd.s32 @!p0 $0xFFFFFB00  }
0x3c: {  	[spmem:s17] =	stream.linear.scatter @!p0 [tilespmem:s23], [sflag:$0x1], $0x500, $0x38;
	[tilespmem:$0x1678] =	vst v63  }
0x3d: {  	_ =	swait.ge @!p0 [sflag:s24], $0x500  }
0x3e: {  	[sflag:s24] =	ssyncset.done @!p0 $0x0  }
0x3f: {  	[sflag:s24] =	ssyncadd.s32 @!p0 $0xFFFFFB00  }
0x40: {  	[spmem:s6] =	stream.linear.scatter @!p0 [tilespmem:s23], [sflag:$0x1], $0x410, $0x38;
	[tilespmem:$0x1678] =	vst v63  }
0x41: {  	_ =	swait.ge @!p0 [sflag:s24], $0x410  }
0x42: {  	[sflag:s24] =	ssyncset.done @!p0 $0x0  }
0x43: {  	[sflag:s24] =	ssyncadd.s32 @!p0 $0xFFFFFBF0  }
0x44: {  	s23 =	simm.s32 $0x40;
	s24 =	simm.s32 $0x0;
	[bflag:$0x0] =	sbarrier.arrive $0xFFFF  }
.LBB2_4:
0x45: {  	p3 =	seq.s32 s23, $0x13C0;
	[tilespmem:s24+$0xF00] =	vst v1;
	s24 =	smov.u32 s23;
	s23 =	sadd.s32 $0x40, s23  }
.Ltmp3:
0x46: {  	(pc) =	sbr.rel @!p3 .LBB2_4-.Ltmp3, $2  }
0x47: {  	_ =	sdelay $0x2  }
0x48: {  	s24 =	sshra.s32 s24, $0x2  }
0x49: {  	[tilespmem:s24+$0xF00] =	vst v1;
	s23 =	simm.s32 $0x0;
	s24 =	simm.s32 $0x0  }
.LBB2_6:
0x4a: {  	s25 =	sshll.u32 s24, $0x4  }
0x4b: {  	s25 =	sor.u32 s4, s25  }
0x4c: {  	s25 =	smul.u32 $0x500, s25;
	_ =	sdelay $0x1  }
0x4d: {  	s25 =	sadd.s32 s5, s25  }
0x4e: {  	s25 =	sshrl.u32 s25, $0x2  }
0x4f: {  	s25 =	sadd.s32 s1, s25  }
0x50: {  	[tilespmem:s23], [sflag:$0x1] =	stream.linear.gather [hbm4b:s25+s23], $0xA00, $0x38;
	[tilespmem:$0x1678] =	vst v63  }
0x51: {  	s29 =	sand.u32 $0x3C00, s23;
	_ =	swait.ge [sflag:s18], $0xA00  }
0x52: {  	s26 =	sand.u32 $0x70, s23;
	s25 =	sshrl.u32 s29, $0x2;
	[sflag:s18] =	ssyncset.done $0x0  }
0x53: {  	s25 =	sor.u32 s26, s25;
	[sflag:s18] =	ssyncadd.s32 $0xFFFFF600  }
0x54: {  	v2 =	vld [tilespmem:s25+$0x80];
	_ =	sdelay $0x1  }
0x55: {  	s30 =	simm.s32 $0x80  }
0x56: {  	s31 =	simm.s32 $0x10;
	s28 =	sand.u32 $0x3C00, s30  }
0x57: {  	s28 =	sshrl.u32 s28, $0x2;
	s26 =	sand.u32 $0x70, s31;
	s25 =	simm.s32 $0xA00  }
0x58: {  	s28 =	sor.u32 s26, s28;
	[tilespmem:s25+$0x0] =	vst v2  }
0x59: {  	v2 =	vld [tilespmem:s28+$0x80]  }
0x5a: {  	s26 =	simm.s32 $0x20;
	s28 =	simm.s32 $0x100  }
.LBB2_7:
0x5b: {  	s29 =	sand.u32 $0x3C00, s28;
	p3 =	sne.s32 s26, $0x4F0  }
0x5c: {  	s30 =	smov.u32 s26;
	s26 =	sadd.s32 $0x10, s26;
	s25 =	sadd.s32 $0x10, s25  }
.Ltmp4:
0x5d: {  	s30 =	sand.u32 $0x70, s30;
	s29 =	sshrl.u32 s29, $0x2;
	(pc) =	sbr.rel @p3 .LBB2_7-.Ltmp4, $3  }
0x5e: {  	s29 =	sor.u32 s30, s29;
	[tilespmem:s25+$0x0] =	vst v2  }
0x5f: {  	v2 =	vld [tilespmem:s29+$0x80];
	_ =	sdelay $0x1  }
0x60: {  	s28 =	sadd.s32 $0x80, s28  }
0x61: {  	s24 =	sadd.s32 $0x1, s24  }
0x62: {  	s25 =	sadd.s32 $0x10, s25;
	p3 =	sne.s32 s24, $0x7  }
.Ltmp5:
0x63: {  	[tilespmem:s25+$0x0] =	vst v2;
	(pc) =	sbr.rel @p3 .LBB2_6-.Ltmp5, $4  }
0x64: {  	[spmem:s2] =	stream.indirect.scatter.add.f32 [tilespmem:s21], [sflag:$0x1], $0x1, s20, s19, $0xb8;
	[tilespmem:$0x1678] =	vst v63  }
0x65: {  	_ =	swait.ge [sflag:s18], $0x500  }
0x66: {  	[sflag:s18] =	ssyncset.done $0x0  }
0x67: {  	[sflag:s18] =	ssyncadd.s32 $0xFFFFFB00  }
.Ltmp6:
0x68: {  	(pc) =	sbr.rel @p1 .LBB2_13-.Ltmp6, $1  }
0x69: {  	_ =	sdelay $0x3  }
0x6a: {  	s23 =	simm.s32 $0x0  }
0x6b: {  	[tilespmem:s23], [sflag:$0x1] =	stream.linear.gather [hbm4b:s7+s23], $0xA00, $0x38;
	[tilespmem:$0x1678] =	vst v63  }
0x6c: {  	s24 =	sand.u32 $0x3C00, s23;
	_ =	swait.ge [sflag:s18], $0xA00  }
0x6d: {  	s23 =	sand.u32 $0x70, s23;
	s24 =	sshrl.u32 s24, $0x2;
	[sflag:s18] =	ssyncset.done $0x0  }
0x6e: {  	s23 =	sor.u32 s23, s24;
	[sflag:s18] =	ssyncadd.s32 $0xFFFFF600  }
0x6f: {  	v2 =	vld [tilespmem:s23+$0x80];
	_ =	sdelay $0x1  }
0x70: {  	s30 =	simm.s32 $0x80  }
0x71: {  	s31 =	simm.s32 $0x10;
	s25 =	sand.u32 $0x3C00, s30  }
0x72: {  	s25 =	sshrl.u32 s25, $0x2;
	s24 =	sand.u32 $0x70, s31;
	s23 =	simm.s32 $0xA00  }
0x73: {  	s25 =	sor.u32 s24, s25;
	[tilespmem:s23+$0x0] =	vst v2  }
0x74: {  	v2 =	vld [tilespmem:s25+$0x80]  }
0x75: {  	s24 =	simm.s32 $0x20;
	s25 =	simm.s32 $0x100  }
.LBB2_11:
0x76: {  	s26 =	sand.u32 $0x3C00, s25;
	p3 =	sne.s32 s24, $0x4F0  }
0x77: {  	s28 =	smov.u32 s24;
	s24 =	sadd.s32 $0x10, s24;
	s23 =	sadd.s32 $0x10, s23  }
.Ltmp7:
0x78: {  	s28 =	sand.u32 $0x70, s28;
	s26 =	sshrl.u32 s26, $0x2;
	(pc) =	sbr.rel @p3 .LBB2_11-.Ltmp7, $3  }
0x79: {  	s26 =	sor.u32 s28, s26;
	[tilespmem:s23+$0x0] =	vst v2  }
0x7a: {  	v2 =	vld [tilespmem:s26+$0x80];
	_ =	sdelay $0x1  }
0x7b: {  	s25 =	sadd.s32 $0x80, s25  }
0x7c: {  	_ = 	snop  }
0x7d: {  	s23 =	sadd.s32 $0x10, s23  }
0x7e: {  	[tilespmem:s23+$0x0] =	vst v2  }
0x7f: {  	[spmem:s2] =	stream.indirect.scatter.add.f32 [tilespmem:s21], [sflag:$0x1], $0x1, s20, s19, $0xb8;
	[tilespmem:$0x1678] =	vst v63  }
.Ltmp8:
0x80: {  	_ =	swait.ge [sflag:s18], $0x500;
	(pc) =	sbr.rel .LBB2_14-.Ltmp8, $3  }
0x81: {  	[sflag:s18] =	ssyncset.done $0x0  }
0x82: {  	[sflag:s18] =	ssyncadd.s32 $0xFFFFFB00  }
0x83: {  	[bflag:$0x0] =	sbarrier.arrive $0xFFFF;
	_ =	sdelay $0x1  }
.LBB2_13:
.Ltmp9:
0x84: {  	(pc) =	sbr.rel @p2 .LBB2_15-.Ltmp9, $2  }
0x85: {  	_ =	sdelay $0x1  }
0x86: {  	[bflag:$0x0] =	sbarrier.arrive $0xFFFF;
	_ =	sdelay $0x1  }
.LBB2_14:
0x87: {  	[tilespmem:s21], [sflag:$0x1] =	stream.linear.gather [spmem:s8], $0x270, $0x38;
	[tilespmem:$0x1678] =	vst v63  }
0x88: {  	_ =	swait.ge [sflag:s18], $0x270  }
0x89: {  	[sflag:s18] =	ssyncset.done $0x0  }
.Ltmp10:
0x8a: {  	[sflag:s18] =	ssyncadd.s32 $0xFFFFFD90;
	(pc) =	sbr.rel .LBB2_16-.Ltmp10, $4  }
0x8b: {  	[hbm4b:s9+s3] =	stream.linear.scatter [tilespmem:s21], [sflag:$0x1], $0x270, $0x38;
	[tilespmem:$0x1678] =	vst v63  }
0x8c: {  	_ =	swait.ge [sflag:s18], $0x270  }
0x8d: {  	[sflag:s18] =	ssyncset.done $0x0  }
0x8e: {  	[sflag:s18] =	ssyncadd.s32 $0xFFFFFD90  }
.LBB2_17:
0x8f: {  	_ =	sfence.sel $0x180000  }
0x90: {  	[bflag:$0x0] =	sbarrier.arrive $0xFFFF  }
0x91: {  	_ =	strace $0x90000047  }
0x92: {  	s0 =	sadd.s32 @!p0 $0x100000, s0;
	[bflag:$0x2] =	sbarrier.arrive $0xFFFF  }
0x93: {  	[sflag:s0] =	ssyncadd.tile.s32 @!p0 $0x1;
	_ =	shalt  }
.Lfunc_end2:
_tile_overlayer_lowered:
.L_overlay_start_2:
0x94: {  	(tag) =	ssettag $0x2  }
0x95: {  	s0 =	rddreg [dreg:$0x0];
	s2 =	stileid.u32  }
0x96: {  	s1 =	rddreg [dreg:$0x1];
	p0 =	sne.s32 s2, $0x0  }
0x97: {  	s3 =	rddreg [dreg:$0x2];
	[bflag:$0x3] =	sbarrier.arrive $0xFFFF;
	s2 =	simm.s32 @!p0 $0x1C01  }
0x98: {  	[timem:s3], [sflag:s2] =	dma.local @!p0 [hbm:s0], s1  }
0x99: {  	s0 =	simm.s32 @!p0 $0x1  }
0x9a: {  	_ =	swait.ge @!p0 [sflag:s0], s1  }
0x9b: {  	s1 =	ssub.s32 @!p0 $0x0, s1;
	[sflag:s0] =	ssyncset.done @!p0 $0x0  }
0x9c: {  	[sflag:s0] =	ssyncadd.s32 @!p0 s1  }
0x9d: {  	[bflag:$0x3] =	sbarrier.arrive $0xFFFF  }
0x9e: {  	_ =	shalt  }

</sc_bundles>
